<compile_context>
chip_gen: v7x
topology: tpu7x:2x2x1
jax: 0.10.2.dev20260603
libtpu: 0.0.44.dev20260713+nightly
codegen_flags: <defaults>
</compile_context>

<pallas_src>
import functools

import jax
import jax.numpy as jnp
from jax import lax
from jax.experimental import pallas as pl
from jax.experimental.pallas import tpu as pltpu
from jax.experimental.pallas import tpu_sc as plsc

GROUP_N = 32

_NC = 2
_NS = 16
_NW = _NC * _NS
_K = 128


def _permutation_indexes(T, group_n):
    key = jax.random.key(42)
    keys = jax.random.split(key, group_n)
    fwd = jnp.stack([jax.random.permutation(k, T) for k in keys], axis=0).astype(jnp.int64)
    bwd = jnp.argsort(fwd, axis=1).astype(jnp.int64)
    return fwd, bwd


def _build_gather(rows, C, nchunk):
    mesh = plsc.VectorSubcoreMesh(core_axis_name="c", subcore_axis_name="s")

    @functools.partial(
        pl.kernel,
        mesh=mesh,
        out_type=jax.ShapeDtypeStruct((rows, C), jnp.float32),
        scratch_types=[
            pltpu.VMEM((nchunk, _K), jnp.int32),
            pltpu.VMEM((_K, C), jnp.float32),
            pltpu.VMEM((_K, C), jnp.float32),
            pltpu.SemaphoreType.DMA,
            pltpu.SemaphoreType.DMA,
        ],
    )
    def gather_kernel(table_hbm, idx_hbm, out_hbm, idx_v, buf0, buf1, sem0, sem1):
        wid = lax.axis_index("s") * _NC + lax.axis_index("c")
        base = wid * (nchunk * _K)
        pltpu.sync_copy(idx_hbm.at[wid], idx_v)

        def start_gather(j, buf, sem):
            pltpu.async_copy(table_hbm.at[idx_v.at[j]], buf, sem)

        def wait_gather(buf, sem):
            pltpu.make_async_copy(table_hbm.at[pl.ds(0, _K)], buf, sem).wait()

        start_gather(0, buf0, sem0)

        def body(jj, carry):
            j0 = jj * 2
            start_gather(j0 + 1, buf1, sem1)
            wait_gather(buf0, sem0)
            pltpu.sync_copy(buf0, out_hbm.at[pl.ds(base + j0 * _K, _K)])

            @pl.when(jj < nchunk // 2 - 1)
            def _():
                start_gather(j0 + 2, buf0, sem0)

            wait_gather(buf1, sem1)
            pltpu.sync_copy(buf1, out_hbm.at[pl.ds(base + (j0 + 1) * _K, _K)])
            return carry

        lax.fori_loop(0, nchunk // 2, body, 0)

    return gather_kernel


def kernel(patches):
    B, T, C = patches.shape
    group_n = B // GROUP_N
    fwd, bwd = _permutation_indexes(T, group_n)
    forward_indexes = jnp.repeat(fwd, GROUP_N, axis=0)
    backward_indexes = jnp.repeat(bwd, GROUP_N, axis=0)

    rows = B * T
    per_w = rows // _NW
    nchunk = per_w // _K
    assert per_w * _NW == rows and nchunk * _K == per_w

    gidx = (
        jnp.arange(B, dtype=jnp.int32)[:, None] * T
        + forward_indexes.astype(jnp.int32)
    ).reshape(_NW, nchunk, _K)
    table = patches.reshape(rows, C)

    shuffled = _build_gather(rows, C, nchunk)(table, gidx)
    return shuffled.reshape(B, T, C), forward_indexes, backward_indexes

# --- scband reference (transcript-rebuilt; emitter-appended) ---
"""Pipeline reference for scband-patch-shuffle-78237124264126 (READ-ONLY COPY).

The authoritative reference and input builder live on the scoring server;
editing this copy changes nothing except your own understanding.
"""

import jax, jax.numpy as jnp
import numpy as np

GROUP_SIZE = 32


def _make_indexes(T, group_n):
    key = jax.random.key(42)
    keys = jax.random.split(key, group_n)
    fwd = jnp.stack([jax.random.permutation(k, T) for k in keys], axis=0).astype(jnp.int64)
    bwd = jnp.argsort(fwd, axis=1).astype(jnp.int64)
    return fwd, bwd


def setup_inputs(seed: int = 0) -> dict:
    key = jax.random.key(seed)
    patches = jax.random.normal(key, (64, 4096, 128), dtype=jnp.float32)
    return {"patches": patches}


def reference(patches):
    B, T, C = patches.shape
    assert B % GROUP_SIZE == 0
    group_n = B // GROUP_SIZE
    fwd, bwd = _make_indexes(T, group_n)
    # einops repeat 'n t -> (n g) t' : each group's row repeated g times consecutively
    forward_indexes = jnp.repeat(fwd, GROUP_SIZE, axis=0)
    backward_indexes = jnp.repeat(bwd, GROUP_SIZE, axis=0)
    # take_indexes: gather along token dim, broadcast over channels
    shuffled = jnp.take_along_axis(patches, forward_indexes[:, :, None], axis=1)
    return (shuffled, forward_indexes, backward_indexes)

if __name__ == "__main__":
    import jax
    _d = setup_inputs()
    print(jax.jit(kernel)(*tuple(_d.values())))

</pallas_src>

<mosaic_0001>
#map = affine_map<(d0, d1) -> (0, 0)>
#map1 = affine_map<(d0, d1) -> (0, 0, 0)>
module attributes {stable_mosaic.version = 14 : i64} {
  func.func @gather_kernel(%arg0: i32, %arg1: i32, %arg2: memref<262144x128xf32, #tpu.memory_space<hbm>>, %arg3: memref<32x64x128xi32, #tpu.memory_space<hbm>>, %arg4: memref<262144x128xf32, #tpu.memory_space<hbm>>, %arg5: memref<64x128xi32, #tpu.memory_space<vmem>>, %arg6: memref<128x128xf32, #tpu.memory_space<vmem>>, %arg7: memref<128x128xf32, #tpu.memory_space<vmem>>, %arg8: memref<!tpu.dma_semaphore, #tpu.memory_space<semaphore_mem>>, %arg9: memref<!tpu.dma_semaphore, #tpu.memory_space<semaphore_mem>>) attributes {dimension_semantics = [#tpu.dimension_semantics<core_parallel>, #tpu.dimension_semantics<subcore_parallel>], iteration_bounds = array<i64: 2, 16>, scalar_prefetch = 0 : i64, scratch_operands = 5 : i64, tpu.core_type = #tpu.core_type<sc_vector_subcore>, window_params = [{transform_indices = #map}, {transform_indices = #map1}, {transform_indices = #map}]} {
    %mul3A = arith.constant 2 : i32
    %mul3A_0 = arith.muli %arg1, %mul3A : i32
    %add3A = arith.addi %mul3A_0, %arg0 : i32
    %mul3A_1 = arith.constant 8192 : i32
    %mul3A_2 = arith.muli %add3A, %mul3A_1 : i32
    "tpu.region"() ({
      %run_scoped3A = tpu.sem_alloc : memref<!tpu.dma_semaphore, #tpu.memory_space<semaphore_mem>>
      %dma_start3A_14 = arith.constant 0 : i32
      %dma_start3A_15 = arith.constant 0 : i32
      %dma_start3A_16 = tpu.memref_slice %arg3[%add3A, %dma_start3A_14, %dma_start3A_15] : memref<32x64x128xi32, #tpu.memory_space<hbm>> -> memref<1x64x128xi32, #tpu.memory_space<hbm>>
      %dma_start3A_17 = tpu.memref_squeeze %dma_start3A_16 : memref<1x64x128xi32, #tpu.memory_space<hbm>> -> memref<64x128xi32, #tpu.memory_space<hbm>>
      %dma_start3A_18 = arith.constant 0 : i32
      %dma_start3A_19 = arith.constant 0 : i32
      %dma_start3A_20 = tpu.memref_slice %arg3[%add3A, %dma_start3A_18, %dma_start3A_19] : memref<32x64x128xi32, #tpu.memory_space<hbm>> -> memref<1x64x128xi32, #tpu.memory_space<hbm>>
      %dma_start3A_21 = tpu.memref_squeeze %dma_start3A_20 : memref<1x64x128xi32, #tpu.memory_space<hbm>> -> memref<64x128xi32, #tpu.memory_space<hbm>>
      tpu.enqueue_dma source(%dma_start3A_21 : memref<64x128xi32, #tpu.memory_space<hbm>>) target(%arg5 : memref<64x128xi32, #tpu.memory_space<vmem>>) target_semaphore(%run_scoped3A : memref<!tpu.dma_semaphore, #tpu.memory_space<semaphore_mem>>)
      %dma_wait3A = arith.constant 0 : i32
      %dma_wait3A_22 = arith.constant 0 : i32
      %dma_wait3A_23 = tpu.memref_slice %arg3[%add3A, %dma_wait3A, %dma_wait3A_22] : memref<32x64x128xi32, #tpu.memory_space<hbm>> -> memref<1x64x128xi32, #tpu.memory_space<hbm>>
      %dma_wait3A_24 = tpu.memref_squeeze %dma_wait3A_23 : memref<1x64x128xi32, #tpu.memory_space<hbm>> -> memref<64x128xi32, #tpu.memory_space<hbm>>
      %dma_wait3A_25 = arith.constant 0 : i32
      %dma_wait3A_26 = arith.constant 0 : i32
      %dma_wait3A_27 = tpu.memref_slice %arg3[%add3A, %dma_wait3A_25, %dma_wait3A_26] : memref<32x64x128xi32, #tpu.memory_space<hbm>> -> memref<1x64x128xi32, #tpu.memory_space<hbm>>
      %dma_wait3A_28 = tpu.memref_squeeze %dma_wait3A_27 : memref<1x64x128xi32, #tpu.memory_space<hbm>> -> memref<64x128xi32, #tpu.memory_space<hbm>>
      tpu.wait_dma2 semaphore(%run_scoped3A : memref<!tpu.dma_semaphore, #tpu.memory_space<semaphore_mem>>) src(%dma_wait3A_28 : memref<64x128xi32, #tpu.memory_space<hbm>>) dst(%arg5 : memref<64x128xi32, #tpu.memory_space<vmem>>)
      tpu.yield
    }) : () -> ()
    %dma_start3A = arith.constant 0 : i32
    %dma_start3A_3 = arith.constant 0 : i32
    %dma_start3A_4 = tpu.memref_slice %arg5[%dma_start3A, %dma_start3A_3] : memref<64x128xi32, #tpu.memory_space<vmem>> -> memref<1x128xi32, #tpu.memory_space<vmem>>
    %dma_start3A_5 = tpu.memref_squeeze %dma_start3A_4 : memref<1x128xi32, #tpu.memory_space<vmem>> -> memref<128xi32, #tpu.memory_space<vmem>>
    %dma_start3A_6 = arith.constant 0 : i32
    %dma_start3A_7 = arith.constant 0 : i32
    %dma_start3A_8 = tpu.memref_slice %arg2[%dma_start3A_6, %dma_start3A_7] : memref<262144x128xf32, #tpu.memory_space<hbm>> -> memref<262144x128xf32, #tpu.memory_space<hbm>>
    tpu.enqueue_indirect_dma source(%dma_start3A_8 : memref<262144x128xf32, #tpu.memory_space<hbm>>) target(%arg6 : memref<128x128xf32, #tpu.memory_space<vmem>>) offsets(%dma_start3A_5 : memref<128xi32, #tpu.memory_space<vmem>>) semaphore(%arg8 : memref<!tpu.dma_semaphore, #tpu.memory_space<semaphore_mem>>)
    %scan3A = arith.constant 0 : i32
    %scan3A_9 = arith.constant 0 : i32
    %scan3A_10 = arith.constant 32 : i32
    %scan3A_11 = arith.addi %scan3A_9, %scan3A_10 : i32
    %scan3A_12 = arith.constant 1 : i32
    scf.for %scan3A_14 = %scan3A_9 to %scan3A_11 step %scan3A_12  : i32 {
      %mul3A_15 = arith.constant 2 : i32
      %mul3A_16 = arith.muli %scan3A_14, %mul3A_15 : i32
      %add3A_17 = arith.constant 1 : i32
      %add3A_18 = arith.addi %mul3A_16, %add3A_17 : i32
      %dma_start3A_19 = arith.constant 0 : i32
      %dma_start3A_20 = tpu.memref_slice %arg5[%add3A_18, %dma_start3A_19] : memref<64x128xi32, #tpu.memory_space<vmem>> -> memref<1x128xi32, #tpu.memory_space<vmem>>
      %dma_start3A_21 = tpu.memref_squeeze %dma_start3A_20 : memref<1x128xi32, #tpu.memory_space<vmem>> -> memref<128xi32, #tpu.memory_space<vmem>>
      %dma_start3A_22 = arith.constant 0 : i32
      %dma_start3A_23 = arith.constant 0 : i32
      %dma_start3A_24 = tpu.memref_slice %arg2[%dma_start3A_22, %dma_start3A_23] : memref<262144x128xf32, #tpu.memory_space<hbm>> -> memref<262144x128xf32, #tpu.memory_space<hbm>>
      tpu.enqueue_indirect_dma source(%dma_start3A_24 : memref<262144x128xf32, #tpu.memory_space<hbm>>) target(%arg7 : memref<128x128xf32, #tpu.memory_space<vmem>>) offsets(%dma_start3A_21 : memref<128xi32, #tpu.memory_space<vmem>>) semaphore(%arg9 : memref<!tpu.dma_semaphore, #tpu.memory_space<semaphore_mem>>)
      %dma_wait3A = arith.constant 0 : i32
      %dma_wait3A_25 = arith.constant 0 : i32
      %dma_wait3A_26 = tpu.memref_slice %arg2[%dma_wait3A, %dma_wait3A_25] : memref<262144x128xf32, #tpu.memory_space<hbm>> -> memref<128x128xf32, #tpu.memory_space<hbm>>
      %dma_wait3A_27 = arith.constant 0 : i32
      %dma_wait3A_28 = arith.constant 0 : i32
      %dma_wait3A_29 = tpu.memref_slice %arg2[%dma_wait3A_27, %dma_wait3A_28] : memref<262144x128xf32, #tpu.memory_space<hbm>> -> memref<128x128xf32, #tpu.memory_space<hbm>>
      tpu.wait_dma2 semaphore(%arg8 : memref<!tpu.dma_semaphore, #tpu.memory_space<semaphore_mem>>) src(%dma_wait3A_29 : memref<128x128xf32, #tpu.memory_space<hbm>>) dst(%arg6 : memref<128x128xf32, #tpu.memory_space<vmem>>)
      %mul3A_30 = arith.constant 128 : i32
      %mul3A_31 = arith.muli %mul3A_16, %mul3A_30 : i32
      %add3A_32 = arith.addi %mul3A_2, %mul3A_31 : i32
      "tpu.region"() ({
        %run_scoped3A = tpu.sem_alloc : memref<!tpu.dma_semaphore, #tpu.memory_space<semaphore_mem>>
        %dma_start3A_46 = arith.constant 0 : i32
        %dma_start3A_47 = tpu.memref_slice %arg4[%add3A_32, %dma_start3A_46] : memref<262144x128xf32, #tpu.memory_space<hbm>> -> memref<128x128xf32, #tpu.memory_space<hbm>>
        %dma_start3A_48 = arith.constant 0 : i32
        %dma_start3A_49 = tpu.memref_slice %arg4[%add3A_32, %dma_start3A_48] : memref<262144x128xf32, #tpu.memory_space<hbm>> -> memref<128x128xf32, #tpu.memory_space<hbm>>
        tpu.enqueue_dma source(%arg6 : memref<128x128xf32, #tpu.memory_space<vmem>>) target(%dma_start3A_49 : memref<128x128xf32, #tpu.memory_space<hbm>>) target_semaphore(%run_scoped3A : memref<!tpu.dma_semaphore, #tpu.memory_space<semaphore_mem>>)
        %dma_wait3A_50 = arith.constant 0 : i32
        %dma_wait3A_51 = tpu.memref_slice %arg4[%add3A_32, %dma_wait3A_50] : memref<262144x128xf32, #tpu.memory_space<hbm>> -> memref<128x128xf32, #tpu.memory_space<hbm>>
        %dma_wait3A_52 = arith.constant 0 : i32
        %dma_wait3A_53 = tpu.memref_slice %arg4[%add3A_32, %dma_wait3A_52] : memref<262144x128xf32, #tpu.memory_space<hbm>> -> memref<128x128xf32, #tpu.memory_space<hbm>>
        tpu.wait_dma2 semaphore(%run_scoped3A : memref<!tpu.dma_semaphore, #tpu.memory_space<semaphore_mem>>) src(%arg6 : memref<128x128xf32, #tpu.memory_space<vmem>>) dst(%dma_wait3A_53 : memref<128x128xf32, #tpu.memory_space<hbm>>)
        tpu.yield
      }) : () -> ()
      %lt3A = arith.constant 31 : i32
      %lt3A_33 = arith.cmpi slt, %scan3A_14, %lt3A : i32
      %convert_element_type3A = arith.extui %lt3A_33 : i1 to i32
      %cond3A = arith.constant 0 : i32
      %cond3A_34 = arith.cmpi ne, %convert_element_type3A, %cond3A : i32
      scf.if %cond3A_34 {
        %add3A_46 = arith.constant 2 : i32
        %add3A_47 = arith.addi %mul3A_16, %add3A_46 : i32
        %dma_start3A_48 = arith.constant 0 : i32
        %dma_start3A_49 = tpu.memref_slice %arg5[%add3A_47, %dma_start3A_48] : memref<64x128xi32, #tpu.memory_space<vmem>> -> memref<1x128xi32, #tpu.memory_space<vmem>>
        %dma_start3A_50 = tpu.memref_squeeze %dma_start3A_49 : memref<1x128xi32, #tpu.memory_space<vmem>> -> memref<128xi32, #tpu.memory_space<vmem>>
        %dma_start3A_51 = arith.constant 0 : i32
        %dma_start3A_52 = arith.constant 0 : i32
        %dma_start3A_53 = tpu.memref_slice %arg2[%dma_start3A_51, %dma_start3A_52] : memref<262144x128xf32, #tpu.memory_space<hbm>> -> memref<262144x128xf32, #tpu.memory_space<hbm>>
        tpu.enqueue_indirect_dma source(%dma_start3A_53 : memref<262144x128xf32, #tpu.memory_space<hbm>>) target(%arg6 : memref<128x128xf32, #tpu.memory_space<vmem>>) offsets(%dma_start3A_50 : memref<128xi32, #tpu.memory_space<vmem>>) semaphore(%arg8 : memref<!tpu.dma_semaphore, #tpu.memory_space<semaphore_mem>>)
      } else {
      }
      %dma_wait3A_35 = arith.constant 0 : i32
      %dma_wait3A_36 = arith.constant 0 : i32
      %dma_wait3A_37 = tpu.memref_slice %arg2[%dma_wait3A_35, %dma_wait3A_36] : memref<262144x128xf32, #tpu.memory_space<hbm>> -> memref<128x128xf32, #tpu.memory_space<hbm>>
      %dma_wait3A_38 = arith.constant 0 : i32
      %dma_wait3A_39 = arith.constant 0 : i32
      %dma_wait3A_40 = tpu.memref_slice %arg2[%dma_wait3A_38, %dma_wait3A_39] : memref<262144x128xf32, #tpu.memory_space<hbm>> -> memref<128x128xf32, #tpu.memory_space<hbm>>
      tpu.wait_dma2 semaphore(%arg9 : memref<!tpu.dma_semaphore, #tpu.memory_space<semaphore_mem>>) src(%dma_wait3A_40 : memref<128x128xf32, #tpu.memory_space<hbm>>) dst(%arg7 : memref<128x128xf32, #tpu.memory_space<vmem>>)
      %add3A_41 = arith.constant 1 : i32
      %add3A_42 = arith.addi %mul3A_16, %add3A_41 : i32
      %mul3A_43 = arith.constant 128 : i32
      %mul3A_44 = arith.muli %add3A_42, %mul3A_43 : i32
      %add3A_45 = arith.addi %mul3A_2, %mul3A_44 : i32
      "tpu.region"() ({
        %run_scoped3A = tpu.sem_alloc : memref<!tpu.dma_semaphore, #tpu.memory_space<semaphore_mem>>
        %dma_start3A_46 = arith.constant 0 : i32
        %dma_start3A_47 = tpu.memref_slice %arg4[%add3A_45, %dma_start3A_46] : memref<262144x128xf32, #tpu.memory_space<hbm>> -> memref<128x128xf32, #tpu.memory_space<hbm>>
        %dma_start3A_48 = arith.constant 0 : i32
        %dma_start3A_49 = tpu.memref_slice %arg4[%add3A_45, %dma_start3A_48] : memref<262144x128xf32, #tpu.memory_space<hbm>> -> memref<128x128xf32, #tpu.memory_space<hbm>>
        tpu.enqueue_dma source(%arg7 : memref<128x128xf32, #tpu.memory_space<vmem>>) target(%dma_start3A_49 : memref<128x128xf32, #tpu.memory_space<hbm>>) target_semaphore(%run_scoped3A : memref<!tpu.dma_semaphore, #tpu.memory_space<semaphore_mem>>)
        %dma_wait3A_50 = arith.constant 0 : i32
        %dma_wait3A_51 = tpu.memref_slice %arg4[%add3A_45, %dma_wait3A_50] : memref<262144x128xf32, #tpu.memory_space<hbm>> -> memref<128x128xf32, #tpu.memory_space<hbm>>
        %dma_wait3A_52 = arith.constant 0 : i32
        %dma_wait3A_53 = tpu.memref_slice %arg4[%add3A_45, %dma_wait3A_52] : memref<262144x128xf32, #tpu.memory_space<hbm>> -> memref<128x128xf32, #tpu.memory_space<hbm>>
        tpu.wait_dma2 semaphore(%run_scoped3A : memref<!tpu.dma_semaphore, #tpu.memory_space<semaphore_mem>>) src(%arg7 : memref<128x128xf32, #tpu.memory_space<vmem>>) dst(%dma_wait3A_53 : memref<128x128xf32, #tpu.memory_space<hbm>>)
        tpu.yield
      }) : () -> ()
    }
    %scan3A_13 = arith.constant 32 : i32
    return
  }
}

</mosaic_0001>

<sc_bundles>
// kernel: kernel.3.cloned.1.call-start
scs
__scs_entry_jumppad:
0x0: {  	(pc) =	sbr.rel $0x88, $3  }
0x1: {  	(tag) =	ssettag $0x0;
	lr =	simm.s32 $0x1  }
0x2: {  	[smem:$0x3FA0] =	sst lr;
	_ =	strace $0xD0000000  }
0x3: {  	_ = 	snop  }
0x4: {  	_ = 	snop  }
0x5: {  	_ = 	snop  }
0x6: {  	_ = 	snop  }
0x7: {  	_ = 	snop  }
__scs_overlays_trampoline_lowered:
0x8: {  	[smem:$0x3FAF] =	sst s0  }
0x9: {  	[smem:$0x3FB0] =	sst s1  }
0xa: {  	[smem:$0x3FB1] =	sst s2  }
0xb: {  	[smem:$0x3FB2] =	sst s3  }
0xc: {  	[smem:$0x3FB3] =	sst s4  }
0xd: {  	[smem:$0x3FB4] =	sst s5  }
0xe: {  	[smem:$0x3FB5] =	sst s6  }
0xf: {  	[smem:$0x3FB6] =	sst s7  }
0x10: {  	[smem:$0x3FB7] =	sst s8  }
0x11: {  	[smem:$0x3FB8] =	sst s9;
	s0 =	simm.s32 @!p0 $0x0  }
0x12: {  	s1 =	sld [smem:$0x3F9E];
	s0 =	simm.s32 @p0 $0x1  }
0x13: {  	[smem:$0x3FB9] =	sst s0;
	s0 =	simm.s32 @!p1 $0x0  }
0x14: {  	s2 =	sld [smem:$0x3F9D];
	s0 =	simm.s32 @p1 $0x1  }
0x15: {  	[smem:$0x3FBA] =	sst s0;
	s0 =	simm.s32 @!p2 $0x0  }
0x16: {  	s3 =	sld [smem:$0x3FDB];
	s0 =	simm.s32 @p2 $0x1  }
0x17: {  	s4 =	simm.s32 $0x1BF5;
	[smem:$0x3FBC] =	sst s0  }
0x18: {  	s0 =	sld [smem:$0x3F9F];
	_ =	swait.ge [sflag:s4], $0x0  }
0x19: {  	s7 =	sld [smem:$0x3FA0]  }
0x1a: {  	s8 =	sadd.s32 $0xFFFFE003, lr  }
0x1b: {  	s9 =	sadd.s32 $0xFFFFFEF7, lr;
	s5 =	simm.s32 $0xFFFFFFFF;
	p2 =	slt.u32 s8, $0xFFFFF086  }
0x1c: {  	p1 =	slt.u32 s9, $0xF7A;
	s5 =	simm.s32 @!p2 $0x0  }
0x1d: {  	s5 =	simm.s32 @p1 $0x1;
	p0 =	seq.s32 s7, s2  }
0x1e: {  	s7 =	smul.u32 @!p0 $0xF7A, s2;
	p2 =	seq.s32 @!p0 s5, $0x0  }
0x1f: {  	s9 =	smul.u32 $0xF7A, s1;
	s8 =	simm.s32 @!p0 $0x1BF5;
	p2 =	por !p2, p0  }
0x20: {  	[sflag:s8] =	ssyncset.s32 @!p0 $0xFFFFF086;
	s6 =	sadd.s32 @!p0 s3, s7;
	s7 =	simm.s32 @!p0 $0x108  }
0x21: {  	s3 =	sadd.s32 s3, s9;
	s6 =	sadd.s32 @!p0 $0x88, s6;
	s7 =	simm.s32 @p2 $0x1082  }
0x22: {  	[simem:s7], [sflag:s8] =	dma.local @!p0 [hbm:s6], $0xF7A  }
0x23: {  	s9 =	sor.u32 $0xD0000000, s2;
	s6 =	simm.s32 $0x108;
	_ =	swait.ge @!p0 [sflag:s8], $0x0  }
0x24: {  	s3 =	sadd.s32 $0x88, s3;
	s6 =	simm.s32 @!p1 $0x1082;
	[sflag:s4] =	ssyncset.s32 $0xFFFFF086  }
0x25: {  	[simem:s6], [sflag:s4] =	dma.local [hbm:s3], $0xF7A  }
0x26: {  	[smem:$0x3FA0] =	sst s1;
	(tag) =	ssettag s2;
	_ =	strace s9  }
0x27: {  	s1 =	sld [smem:$0x3FB0]  }
0x28: {  	s2 =	sld [smem:$0x3FB1]  }
0x29: {  	s4 =	sld [smem:$0x3FB3]  }
0x2a: {  	p0 =	seq.s32 s5, $0x0;
	s5 =	sld [smem:$0x3FB4]  }
0x2b: {  	s6 =	sld [smem:$0x3FB5]  }
0x2c: {  	s7 =	sld [smem:$0x3FB6]  }
0x2d: {  	s3 =	simm.s32 $0x108;
	s8 =	sld [smem:$0x3FB7]  }
0x2e: {  	s3 =	simm.s32 @!p0 $0x1082;
	s9 =	sld [smem:$0x3FB8]  }
0x2f: {  	lr =	sadd.s32 s0, s3;
	s0 =	sld [smem:$0x3FAF]  }
0x30: {  	s3 =	sld [smem:$0x3FB2]  }
0x31: {  	[smem:$0x3FBB] =	sst s10  }
0x32: {  	s10 =	sld [smem:$0x3FB9];
	_ =	sdelay $0x3  }
0x33: {  	p0 =	seq.s32 s10, $0x1;
	s10 =	sld [smem:$0x3FBB];
	_ =	sdelay $0x3  }
0x34: {  	[smem:$0x3FBB] =	sst s10  }
0x35: {  	s10 =	sld [smem:$0x3FBA];
	_ =	sdelay $0x3  }
0x36: {  	p1 =	seq.s32 s10, $0x1;
	s10 =	sld [smem:$0x3FBB];
	_ =	sdelay $0x3  }
0x37: {  	[smem:$0x3FBB] =	sst s10  }
0x38: {  	s10 =	sld [smem:$0x3FBC]  }
0x39: {  	_ = 	snop;
	(pc) =	sbr.ind lr, $3  }
0x3a: {  	_ = 	snop  }
0x3b: {  	_ = 	snop  }
0x3c: {  	p2 =	seq.s32 s10, $0x1;
	s10 =	sld [smem:$0x3FBB]  }
0x3d: {  	_ =	shalt  }
0x3e: {  	_ =	shalt  }
0x3f: {  	_ =	shalt  }
0x40: {  	_ =	shalt  }
0x41: {  	_ =	shalt  }
0x42: {  	_ =	shalt  }
0x43: {  	_ =	shalt  }
0x44: {  	_ =	shalt  }
0x45: {  	_ =	shalt  }
0x46: {  	_ =	shalt  }
0x47: {  	_ =	shalt  }
0x48: {  	_ =	shalt  }
0x49: {  	_ =	shalt  }
0x4a: {  	_ =	shalt  }
0x4b: {  	_ =	shalt  }
0x4c: {  	_ =	shalt  }
0x4d: {  	_ =	shalt  }
0x4e: {  	_ =	shalt  }
0x4f: {  	_ =	shalt  }
0x50: {  	_ =	shalt  }
0x51: {  	_ =	shalt  }
0x52: {  	_ =	shalt  }
0x53: {  	_ =	shalt  }
0x54: {  	_ =	shalt  }
0x55: {  	_ =	shalt  }
0x56: {  	_ =	shalt  }
0x57: {  	_ =	shalt  }
0x58: {  	_ =	shalt  }
0x59: {  	_ =	shalt  }
0x5a: {  	_ =	shalt  }
0x5b: {  	_ =	shalt  }
0x5c: {  	_ =	shalt  }
0x5d: {  	_ =	shalt  }
0x5e: {  	_ =	shalt  }
0x5f: {  	_ =	shalt  }
0x60: {  	_ =	shalt  }
0x61: {  	_ =	shalt  }
0x62: {  	_ =	shalt  }
0x63: {  	_ =	shalt  }
0x64: {  	_ =	shalt  }
0x65: {  	_ =	shalt  }
0x66: {  	_ =	shalt  }
0x67: {  	_ =	shalt  }
0x68: {  	_ =	shalt  }
0x69: {  	_ =	shalt  }
0x6a: {  	_ =	shalt  }
0x6b: {  	_ =	shalt  }
0x6c: {  	_ =	shalt  }
0x6d: {  	_ =	shalt  }
0x6e: {  	_ =	shalt  }
0x6f: {  	_ =	shalt  }
0x70: {  	_ =	shalt  }
0x71: {  	_ =	shalt  }
0x72: {  	_ =	shalt  }
0x73: {  	_ =	shalt  }
0x74: {  	_ =	shalt  }
0x75: {  	_ =	shalt  }
0x76: {  	_ =	shalt  }
0x77: {  	_ =	shalt  }
0x78: {  	_ =	shalt  }
0x79: {  	_ =	shalt  }
0x7a: {  	_ =	shalt  }
0x7b: {  	_ =	shalt  }
0x7c: {  	_ =	shalt  }
0x7d: {  	_ =	shalt  }
0x7e: {  	_ =	shalt  }
0x7f: {  	_ =	shalt  }
0x80: {  	_ =	shalt  }
0x81: {  	_ =	shalt  }
0x82: {  	_ =	shalt  }
0x83: {  	_ =	shalt  }
0x84: {  	_ =	shalt  }
0x85: {  	_ =	shalt  }
0x86: {  	_ =	shalt  }
0x87: {  	_ =	shalt  }
.Lfunc_end0:
.L_simem_size_0:
called_computation_lowered:
.L_overlay_start_0:
0x88: {  	s2 =	sld [smem:$0x3FD9]  }
0x89: {  	s3 =	sld [smem:$0x3FFE];
	_ =	sdelay $0x1  }
0x8a: {  	s1 =	srdreg.scid  }
0x8b: {  	s0 =	sand.u32 $0x1, s1  }
0x8c: {  	s15 =	sshll.u32 s0, $0xA;
	s2 =	sadd.s32 s3, s2  }
0x8d: {  	s2 =	sadd.s32 s2, s15  }
0x8e: {  	[smem:$0x3FC7] =	sst s2  }
0x8f: {  	_ = 	snop  }
0x90: {  	s2 =	sld [smem:$0x3FD0];
	_ =	sdelay $0x2  }
0x91: {  	s4 =	simm.s32 $0xA;
	s5 =	simm.s32 $0x10;
	s16 =	sld [smem:$0x3FC9]  }
0x92: {  	[smem:s5], [sflag:s4] =	dma.local [hbm:s2], $0x1  }
0x93: {  	_ =	swait.eq [sflag:s4], $0x1  }
0x94: {  	[sflag:s4] =	ssyncset.done $0x0  }
0x95: {  	s17 =	sld [smem:$0x10];
	[sflag:s4] =	ssyncadd.s32 $0xFFFFFFFF  }
0x96: {  	s18 =	sld [smem:$0x12];
	(tm) =	ssettm $0x1  }
0x97: {  	s19 =	sld [smem:$0x3FFB];
	_ =	sdelay $0x3  }
0x98: {  	_ =	strace s19  }
0x99: {  	s5 =	sld [smem:$0x3FFC];
	_ =	sdelay $0x3  }
0x9a: {  	_ =	strace s5  }
0x9b: {  	s5 =	sld [smem:$0x3FFD];
	_ =	sdelay $0x3  }
0x9c: {  	_ =	strace s5  }
0x9d: {  	_ =	strace $0x8FFFFFFF  }
0x9e: {  	s20 =	sld [smem:$0x3FDB];
	_ =	sdelay $0x1  }
0x9f: {  	s6 =	simm.s32 $_scs_section_size  }
0xa0: {  	s7 =	simm.s32 $_size__tile_overlayer_lowered;
	s8 =	simm.s32 $_tile_overlayer_lowered  }
0xa1: {  	s23 =	simm.s32 $0x1BFF;
	s22 =	sshll.u32 s8, $0x1;
	s5 =	sadd.s32 s6, s20  }
0xa2: {  	s9 =	simm.s32 $0x0;
	s21 =	sshll.u32 s7, $0x1;
	s7 =	sadd.s32 s22, s5  }
0xa3: {  	[timem:s9], [sflag:s23] =	dma.local [hbm:s7], s21  }
0xa4: {  	_ =	swait.ge [sflag:s23], s21  }
0xa5: {  	s6 =	ssub.s32 $0x0, s21;
	[sflag:s23] =	ssyncset.done $0x0  }
0xa6: {  	[sflag:s23] =	ssyncadd.s32 s6;
	_ =	sdelay $0x1  }
0xa7: {  	s24 =	simm.s32 $0x1B8B  }
0xa8: {  	_ =	swait.ge [sflag:s24], $0x1  }
0xa9: {  	[sflag:s24] =	ssyncset.done $0x0  }
0xaa: {  	s25 =	simm.s32 $0x1B8E;
	[sflag:s24] =	ssyncadd.s32 $0xFFFFFFFF  }
0xab: {  	s26 =	simm.s32 $execute0_lowered;
	[smem:$0x3FD2] =	sst s25  }
0xac: {  	s6 =	sshll.u32 s26, $0x1;
	_ =	strace $0x80000046;
	[dreg:$0x1] =	wrdreg $0xFFFFFFFF  }
0xad: {  	s28 =	simm.s32 $_size_execute0_lowered;
	s5 =	sadd.s32 s5, s6;
	[dreg:$0x0] =	wrdreg $0x0  }
0xae: {  	s6 =	sshll.u32 s28, $0x1;
	[dreg:$0x2] =	wrdreg s5  }
0xaf: {  	[dreg:$0x3] =	wrdreg s6  }
0xb0: {  	[dreg:$0x4] =	wrdreg $0xC0  }
0xb1: {  	_ =	task [dreg:s9], $0x5FFFF  }
0xb2: {  	[dreg:$0x1] =	wrdreg $0xFFFFFFFF  }
0xb3: {  	[dreg:$0x0] =	wrdreg $0x60  }
0xb4: {  	[dreg:$0x2] =	wrdreg s16  }
0xb5: {  	[dreg:$0x3] =	wrdreg s18  }
0xb6: {  	[dreg:$0x4] =	wrdreg s17  }
0xb7: {  	[dreg:$0x5] =	wrdreg $0x9  }
0xb8: {  	_ =	task.clear_ibuf [dreg:s9], $0x6FFFF;
	_ =	strace $0x90000046  }
0xb9: {  	s29 =	simm.s32 $0x9;
	_ =	strace $0x80000048  }
0xba: {  	_ =	swait.ge [sflag:s29], $0x1  }
0xbb: {  	[sflag:s29] =	ssyncadd.s32 $0xFFFFFFFF  }
0xbc: {  	_ =	strace $0x90000048  }
0xbd: {  	_ =	sfence  }
0xbe: {  	s30 =	sld [smem:$0x0];
	_ =	sdelay $0x2  }
0xbf: {  	s31 =	sshll.u32 s1, $0xD;
	s1 =	sshrl.u32 s1, $0x2  }
0xc0: {  	s3 =	sand.u32 $0x4000, s31;
	s1 =	sadd.s32 s1, s30  }
0xc1: {  	s0 =	sor.u32 s3, s0;
	s1 =	sshll.u32 s1, $0x11  }
0xc2: {  	s0 =	sor.u32 s1, s0  }
0xc3: {  	s0 =	sadd.s32 $0x8F2B, s0  }
0xc4: {  	[sflag:s0] =	ssyncadd.remote.s32 $0x1  }
0xc5: {  	_ =	sfence.sel $0xFFFF  }
0xc6: {  	[dreg:$0x0] =	wrdreg $0xFFFFFFFF;
	(pc) =	sbr.abs _section_cstart, $3  }
0xc7: {  	[dreg:$0x1] =	wrdreg $0xFFFFFFFF  }
0xc8: {  	_ =	task.clear_ibuf [dreg:s9], $0x2FFFF;
	_ =	strace $0x9FFFFFFF  }
0xc9: {  	(tm) =	ssettm $0x7FFFFFFF  }
tec
execute0_lowered:
.L_overlay_start_1:
0x0: {  	(tag) =	ssettag $0x1  }
0x1: {  	s1 =	rddreg [dreg:$0x0]  }
0x2: {  	s4 =	rddreg [dreg:$0x1]  }
0x3: {  	s8 =	rddreg [dreg:$0x2]  }
0x4: {  	s0 =	rddreg [dreg:$0x3];
	s5 =	srdreg.scid  }
0x5: {  	s3 =	simm.s32 $0x0;
	s2 =	stileid.u32;
	s11 =	simm.s32 $0x80  }
0x6: {  	s12 =	simm.s32 $0x6000;
	s13 =	simm.s32 $0x1;
	s14 =	simm.s32 $0x2  }
0x7: {  	s15 =	simm.s32 $0x1F80;
	s16 =	simm.s32 $0x0;
	s9 =	sand.u32 $0x1, s5  }
0x8: {  	[smem:$0x7FF] =	sst s3;
	s28 =	sshll.u32 s2, $0xE;
	s31 =	sshll.u32 s2, $0x12  }
0x9: {  	s6 =	sshll.u32 s9, $0xD;
	_ =	strace $0x80000047;
	s7 =	ssub.s32 $0x2, s9  }
0xa: {  	s9 =	sshll.u32 s9, $0x11;
	s5 =	sor.u32 s6, s28;
	s29 =	sshrl.u32 s7, $0x1  }
0xb: {  	s10 =	sshrl.u32 s5, $0x3;
	s5 =	sshll.u32 s5, $0x4;
	s6 =	ssub.s32 s7, s29  }
0xc: {  	s4 =	sadd.s32 s4, s10;
	s30 =	sadd.s32 s8, s5;
	s5 =	smax.u32 s6, $0x1  }
0xd: {  	s8 =	sadd.s32 s31, s8;
	s10 =	simm.s32 $0x2000;
	s6 =	sadd.s32 $0x1F000, s30  }
0xe: {  	s7 =	sadd.s32 $0x1F800, s30;
	s8 =	sadd.s32 s9, s8;
	s9 =	simm.s32 $0x3  }
.LBB2_1:
0xf: {  	[tilespmem:s3], [sflag:$0x3] =	stream.linear.gather [hbm4b:s4+s3], $0x2000, $0x38;
	[tilespmem:$0xA000] =	vst v63  }
0x10: {  	_ =	swait.ge [sflag:s9], $0x2000  }
0x11: {  	[sflag:s9] =	ssyncset.done $0x0  }
0x12: {  	[sflag:s9] =	ssyncadd.s32 $0xFFFFE000  }
0x13: {  	[tilespmem:s10], [sflag:$0x1] =	stream.indirect.gather [hbm4b:s1+s11], $0x80, s3, s11, $0xb8;
	[tilespmem:$0xA000] =	vst v63  }
0x14: {  	_ = 	snop  }
0x15: {  	[tilespmem:s12], [sflag:$0x2] =	stream.indirect.gather [hbm4b:s1+s11], $0x80, s11, s11, $0xb8;
	[tilespmem:$0xA000] =	vst v63  }
0x16: {  	_ =	swait.ge [sflag:s13], $0x4000  }
0x17: {  	[sflag:s13] =	ssyncset.done $0x0  }
0x18: {  	s17 =	sadd.s32 $0x0, s8;
	[sflag:s13] =	ssyncadd.s32 $0xFFFFC000  }
0x19: {  	[hbm4b:s17+s3] =	stream.linear.scatter [tilespmem:s10], [sflag:$0x3], $0x4000, $0x38;
	[tilespmem:$0xA000] =	vst v63  }
0x1a: {  	_ =	swait.ge [sflag:s9], $0x4000  }
0x1b: {  	[sflag:s9] =	ssyncset.done $0x0  }
0x1c: {  	s18 =	simm.s32 $0x100;
	[sflag:s9] =	ssyncadd.s32 $0xFFFFC000  }
0x1d: {  	[tilespmem:s10], [sflag:$0x1] =	stream.indirect.gather [hbm4b:s1+s11], $0x80, s18, s11, $0xb8;
	[tilespmem:$0xA000] =	vst v63  }
0x1e: {  	_ =	swait.ge [sflag:s14], $0x4000  }
0x1f: {  	[sflag:s14] =	ssyncset.done $0x0  }
0x20: {  	s17 =	sadd.s32 $0x800, s17;
	[sflag:s14] =	ssyncadd.s32 $0xFFFFC000  }
0x21: {  	[hbm4b:s17+s3] =	stream.linear.scatter [tilespmem:s12], [sflag:$0x3], $0x4000, $0x38;
	[tilespmem:$0xA000] =	vst v63  }
0x22: {  	_ =	swait.ge [sflag:s9], $0x4000  }
0x23: {  	s18 =	simm.s32 $0x80;
	s17 =	simm.s32 $0x1000;
	[sflag:s9] =	ssyncset.done $0x0  }
.LBB2_2:
0x24: {  	p0 =	sne.s32 s17, $0x1E000;
	[sflag:s9] =	ssyncadd.s32 $0xFFFFC000;
	s18 =	sadd.s32 $0x100, s18  }
0x25: {  	[tilespmem:s12], [sflag:$0x2] =	stream.indirect.gather [hbm4b:s1+s11], $0x80, s18, s11, $0xb8;
	[tilespmem:$0xA000] =	vst v63  }
0x26: {  	s19 =	smov.u32 s17;
	s17 =	sadd.s32 $0x1000, s17;
	_ =	swait.ge [sflag:s13], $0x4000  }
0x27: {  	[sflag:s13] =	ssyncset.done $0x0  }
0x28: {  	s19 =	sadd.s32 s19, s8;
	[sflag:s13] =	ssyncadd.s32 $0xFFFFC000  }
0x29: {  	[hbm4b:s19+s3] =	stream.linear.scatter [tilespmem:s10], [sflag:$0x3], $0x4000, $0x38;
	[tilespmem:$0xA000] =	vst v63  }
0x2a: {  	_ =	swait.ge [sflag:s9], $0x4000  }
0x2b: {  	[sflag:s9] =	ssyncset.done $0x0  }
0x2c: {  	s20 =	sadd.s32 $0x80, s18;
	[sflag:s9] =	ssyncadd.s32 $0xFFFFC000  }
0x2d: {  	[tilespmem:s10], [sflag:$0x1] =	stream.indirect.gather [hbm4b:s1+s11], $0x80, s20, s11, $0xb8;
	[tilespmem:$0xA000] =	vst v63  }
0x2e: {  	_ =	swait.ge [sflag:s14], $0x4000  }
.Ltmp0:
0x2f: {  	[sflag:s14] =	ssyncset.done $0x0;
	(pc) =	sbr.rel @p0 .LBB2_2-.Ltmp0, $4  }
0x30: {  	s19 =	sadd.s32 $0x800, s19;
	[sflag:s14] =	ssyncadd.s32 $0xFFFFC000  }
0x31: {  	[hbm4b:s19+s3] =	stream.linear.scatter [tilespmem:s12], [sflag:$0x3], $0x4000, $0x38;
	[tilespmem:$0xA000] =	vst v63  }
0x32: {  	_ =	swait.ge [sflag:s9], $0x4000  }
0x33: {  	[sflag:s9] =	ssyncset.done $0x0  }
0x34: {  	[sflag:s9] =	ssyncadd.s32 $0xFFFFC000  }
0x35: {  	[tilespmem:s12], [sflag:$0x2] =	stream.indirect.gather [hbm4b:s1+s11], $0x80, s15, s11, $0xb8;
	[tilespmem:$0xA000] =	vst v63  }
0x36: {  	_ =	swait.ge [sflag:s13], $0x4000  }
0x37: {  	[sflag:s13] =	ssyncset.done $0x0  }
0x38: {  	[sflag:s13] =	ssyncadd.s32 $0xFFFFC000  }
0x39: {  	[hbm4b:s6+s3] =	stream.linear.scatter [tilespmem:s10], [sflag:$0x3], $0x4000, $0x38;
	[tilespmem:$0xA000] =	vst v63  }
0x3a: {  	_ =	swait.ge [sflag:s9], $0x4000  }
0x3b: {  	[sflag:s9] =	ssyncset.done $0x0  }
0x3c: {  	[sflag:s9] =	ssyncadd.s32 $0xFFFFC000  }
0x3d: {  	s16 =	sadd.s32 $0x1, s16;
	_ =	swait.ge [sflag:s14], $0x4000  }
0x3e: {  	p0 =	sne.s32 s16, s5;
	[sflag:s14] =	ssyncset.done $0x0  }
.Ltmp1:
0x3f: {  	[sflag:s14] =	ssyncadd.s32 $0xFFFFC000;
	(pc) =	sbr.rel @p0 .LBB2_1-.Ltmp1, $4  }
0x40: {  	[hbm4b:s7+s3] =	stream.linear.scatter [tilespmem:s12], [sflag:$0x3], $0x4000, $0x38;
	[tilespmem:$0xA000] =	vst v63  }
0x41: {  	_ =	swait.ge [sflag:s9], $0x4000  }
0x42: {  	[sflag:s9] =	ssyncset.done $0x0  }
0x43: {  	[sflag:s9] =	ssyncadd.s32 $0xFFFFC000  }
0x44: {  	_ =	sfence.sel $0x180000  }
0x45: {  	[bflag:$0x0] =	sbarrier.arrive $0xFFFF  }
0x46: {  	p0 =	sne.s32 s2, $0x0;
	_ =	strace $0x90000047  }
0x47: {  	s0 =	sadd.s32 @!p0 $0x100000, s0;
	[bflag:$0x2] =	sbarrier.arrive $0xFFFF  }
0x48: {  	[sflag:s0] =	ssyncadd.tile.s32 @!p0 $0x1;
	_ =	shalt  }
.Lfunc_end2:
_tile_overlayer_lowered:
.L_overlay_start_2:
0x49: {  	(tag) =	ssettag $0x2  }
0x4a: {  	s0 =	rddreg [dreg:$0x0];
	s2 =	stileid.u32  }
0x4b: {  	s1 =	rddreg [dreg:$0x1];
	p0 =	sne.s32 s2, $0x0  }
0x4c: {  	s3 =	rddreg [dreg:$0x2];
	[bflag:$0x3] =	sbarrier.arrive $0xFFFF;
	s2 =	simm.s32 @!p0 $0x1C03  }
0x4d: {  	[timem:s3], [sflag:s2] =	dma.local @!p0 [hbm:s0], s1  }
0x4e: {  	s0 =	simm.s32 @!p0 $0x3  }
0x4f: {  	_ =	swait.ge @!p0 [sflag:s0], s1  }
0x50: {  	s1 =	ssub.s32 @!p0 $0x0, s1;
	[sflag:s0] =	ssyncset.done @!p0 $0x0  }
0x51: {  	[sflag:s0] =	ssyncadd.s32 @!p0 s1  }
0x52: {  	[bflag:$0x3] =	sbarrier.arrive $0xFFFF  }
0x53: {  	_ =	shalt  }

</sc_bundles>
